<compile_context>
chip_gen: v7x
topology: tpu7x:2x2x1
jax: 0.10.2.dev20260603
libtpu: 0.0.44.dev20260713+nightly
codegen_flags: <defaults>
</compile_context>

<pallas_src>
import functools

import jax
import jax.numpy as jnp
from jax import lax
from jax.experimental import pallas as pl
from jax.experimental.pallas import tpu as pltpu
from jax.experimental.pallas import tpu_sc as plsc

_NC = 2
_NS = 16
_L = 16


def _sc_body(x_hbm, m_hbm, o_hbm, mbuf, xbuf, *, rows_per_w, hw):
    wid = lax.axis_index("s") * _NC + lax.axis_index("c")
    base = wid * rows_per_w
    pltpu.sync_copy(m_hbm.at[wid], mbuf)

    def row_body(r, carry):
        pltpu.sync_copy(x_hbm.at[base + r], xbuf)

        def mul_body(i, c):
            o = i * _L
            xbuf[pl.ds(o, _L)] = xbuf[pl.ds(o, _L)] * mbuf[pl.ds(o, _L)]
            return c

        lax.fori_loop(0, hw // _L, mul_body, 0, unroll=8)
        pltpu.sync_copy(xbuf, o_hbm.at[base + r])
        return carry

    lax.fori_loop(0, rows_per_w, row_body, 0)


def kernel(input, mask):
    B, C, K, H, W = input.shape
    BC = B * C
    HW = H * W
    NW = _NC * _NS
    rows_per_w = (BC * K) // NW

    x = input.reshape(BC * K, HW)
    m = mask.reshape(BC, HW)

    mesh = plsc.VectorSubcoreMesh(core_axis_name="c", subcore_axis_name="s")
    run = functools.partial(
        pl.kernel,
        mesh=mesh,
        out_type=jax.ShapeDtypeStruct((BC * K, HW), x.dtype),
        scratch_types=[
            pltpu.VMEM((HW,), x.dtype),
            pltpu.VMEM((HW,), x.dtype),
        ],
    )(functools.partial(_sc_body, rows_per_w=rows_per_w, hw=HW))
    out = run(x, m)
    return out.reshape(B, C, K, H, W)

# --- scband reference (transcript-rebuilt; emitter-appended) ---
"""Pipeline reference for scband-mask-81406810128985 (READ-ONLY COPY).

The authoritative reference and input builder live on the scoring server;
editing this copy changes nothing except your own understanding.
"""

import jax, jax.numpy as jnp
import numpy as np


def setup_inputs(seed: int = 0) -> dict:
    key = jax.random.key(seed)
    k1, k2 = jax.random.split(key)
    inp = jax.random.normal(k1, (4, 8, 32, 224, 224), dtype=jnp.float32)
    mask = jax.random.uniform(k2, (4, 8, 224, 224), dtype=jnp.float32)
    return {"input": inp, "mask": mask}


def reference(input, mask):
    # Faithful translation of the reachable branch of Mask.forward:
    # inputs is a list [input, mask]; resize_masks=False so no resize.
    # mask = mask.unsqueeze(2); input is 5D (not 3D) so masked = mask * input.
    m = jnp.expand_dims(mask, 2)
    masked = m * input
    return masked

if __name__ == "__main__":
    import jax
    _d = setup_inputs()
    print(jax.jit(kernel)(*tuple(_d.values())))

</pallas_src>

<mosaic_0001>
#map = affine_map<(d0, d1) -> (0, 0)>
module attributes {stable_mosaic.version = 14 : i64} {
  func.func @_sc_body(%arg0: i32, %arg1: i32, %arg2: memref<1024x50176xf32, #tpu.memory_space<hbm>>, %arg3: memref<32x50176xf32, #tpu.memory_space<hbm>>, %arg4: memref<1024x50176xf32, #tpu.memory_space<hbm>>, %arg5: memref<50176xf32, #tpu.memory_space<vmem>>, %arg6: memref<50176xf32, #tpu.memory_space<vmem>>) attributes {dimension_semantics = [#tpu.dimension_semantics<core_parallel>, #tpu.dimension_semantics<subcore_parallel>], iteration_bounds = array<i64: 2, 16>, scalar_prefetch = 0 : i64, scratch_operands = 2 : i64, tpu.core_type = #tpu.core_type<sc_vector_subcore>, window_params = [{transform_indices = #map}, {transform_indices = #map}, {transform_indices = #map}]} {
    %mul3A = arith.constant 2 : i32
    %mul3A_0 = arith.muli %arg1, %mul3A : i32
    %add3A = arith.addi %mul3A_0, %arg0 : i32
    %mul3A_1 = arith.constant 32 : i32
    %mul3A_2 = arith.muli %add3A, %mul3A_1 : i32
    "tpu.region"() ({
      %run_scoped3A = tpu.sem_alloc : memref<!tpu.dma_semaphore, #tpu.memory_space<semaphore_mem>>
      %dma_start3A = arith.constant 0 : i32
      %dma_start3A_8 = tpu.memref_slice %arg3[%add3A, %dma_start3A] : memref<32x50176xf32, #tpu.memory_space<hbm>> -> memref<1x50176xf32, #tpu.memory_space<hbm>>
      %dma_start3A_9 = tpu.memref_squeeze %dma_start3A_8 : memref<1x50176xf32, #tpu.memory_space<hbm>> -> memref<50176xf32, #tpu.memory_space<hbm>>
      %dma_start3A_10 = arith.constant 0 : i32
      %dma_start3A_11 = tpu.memref_slice %arg3[%add3A, %dma_start3A_10] : memref<32x50176xf32, #tpu.memory_space<hbm>> -> memref<1x50176xf32, #tpu.memory_space<hbm>>
      %dma_start3A_12 = tpu.memref_squeeze %dma_start3A_11 : memref<1x50176xf32, #tpu.memory_space<hbm>> -> memref<50176xf32, #tpu.memory_space<hbm>>
      tpu.enqueue_dma source(%dma_start3A_12 : memref<50176xf32, #tpu.memory_space<hbm>>) target(%arg5 : memref<50176xf32, #tpu.memory_space<vmem>>) target_semaphore(%run_scoped3A : memref<!tpu.dma_semaphore, #tpu.memory_space<semaphore_mem>>)
      %dma_wait3A = arith.constant 0 : i32
      %dma_wait3A_13 = tpu.memref_slice %arg3[%add3A, %dma_wait3A] : memref<32x50176xf32, #tpu.memory_space<hbm>> -> memref<1x50176xf32, #tpu.memory_space<hbm>>
      %dma_wait3A_14 = tpu.memref_squeeze %dma_wait3A_13 : memref<1x50176xf32, #tpu.memory_space<hbm>> -> memref<50176xf32, #tpu.memory_space<hbm>>
      %dma_wait3A_15 = arith.constant 0 : i32
      %dma_wait3A_16 = tpu.memref_slice %arg3[%add3A, %dma_wait3A_15] : memref<32x50176xf32, #tpu.memory_space<hbm>> -> memref<1x50176xf32, #tpu.memory_space<hbm>>
      %dma_wait3A_17 = tpu.memref_squeeze %dma_wait3A_16 : memref<1x50176xf32, #tpu.memory_space<hbm>> -> memref<50176xf32, #tpu.memory_space<hbm>>
      tpu.wait_dma2 semaphore(%run_scoped3A : memref<!tpu.dma_semaphore, #tpu.memory_space<semaphore_mem>>) src(%dma_wait3A_17 : memref<50176xf32, #tpu.memory_space<hbm>>) dst(%arg5 : memref<50176xf32, #tpu.memory_space<vmem>>)
      tpu.yield
    }) : () -> ()
    %scan3A = arith.constant 0 : i32
    %scan3A_3 = arith.constant 0 : i32
    %scan3A_4 = arith.constant 32 : i32
    %scan3A_5 = arith.addi %scan3A_3, %scan3A_4 : i32
    %scan3A_6 = arith.constant 1 : i32
    scf.for %scan3A_8 = %scan3A_3 to %scan3A_5 step %scan3A_6  : i32 {
      %add3A_9 = arith.addi %mul3A_2, %scan3A_8 : i32
      "tpu.region"() ({
        %run_scoped3A = tpu.sem_alloc : memref<!tpu.dma_semaphore, #tpu.memory_space<semaphore_mem>>
        %dma_start3A = arith.constant 0 : i32
        %dma_start3A_17 = tpu.memref_slice %arg2[%add3A_9, %dma_start3A] : memref<1024x50176xf32, #tpu.memory_space<hbm>> -> memref<1x50176xf32, #tpu.memory_space<hbm>>
        %dma_start3A_18 = tpu.memref_squeeze %dma_start3A_17 : memref<1x50176xf32, #tpu.memory_space<hbm>> -> memref<50176xf32, #tpu.memory_space<hbm>>
        %dma_start3A_19 = arith.constant 0 : i32
        %dma_start3A_20 = tpu.memref_slice %arg2[%add3A_9, %dma_start3A_19] : memref<1024x50176xf32, #tpu.memory_space<hbm>> -> memref<1x50176xf32, #tpu.memory_space<hbm>>
        %dma_start3A_21 = tpu.memref_squeeze %dma_start3A_20 : memref<1x50176xf32, #tpu.memory_space<hbm>> -> memref<50176xf32, #tpu.memory_space<hbm>>
        tpu.enqueue_dma source(%dma_start3A_21 : memref<50176xf32, #tpu.memory_space<hbm>>) target(%arg6 : memref<50176xf32, #tpu.memory_space<vmem>>) target_semaphore(%run_scoped3A : memref<!tpu.dma_semaphore, #tpu.memory_space<semaphore_mem>>)
        %dma_wait3A = arith.constant 0 : i32
        %dma_wait3A_22 = tpu.memref_slice %arg2[%add3A_9, %dma_wait3A] : memref<1024x50176xf32, #tpu.memory_space<hbm>> -> memref<1x50176xf32, #tpu.memory_space<hbm>>
        %dma_wait3A_23 = tpu.memref_squeeze %dma_wait3A_22 : memref<1x50176xf32, #tpu.memory_space<hbm>> -> memref<50176xf32, #tpu.memory_space<hbm>>
        %dma_wait3A_24 = arith.constant 0 : i32
        %dma_wait3A_25 = tpu.memref_slice %arg2[%add3A_9, %dma_wait3A_24] : memref<1024x50176xf32, #tpu.memory_space<hbm>> -> memref<1x50176xf32, #tpu.memory_space<hbm>>
        %dma_wait3A_26 = tpu.memref_squeeze %dma_wait3A_25 : memref<1x50176xf32, #tpu.memory_space<hbm>> -> memref<50176xf32, #tpu.memory_space<hbm>>
        tpu.wait_dma2 semaphore(%run_scoped3A : memref<!tpu.dma_semaphore, #tpu.memory_space<semaphore_mem>>) src(%dma_wait3A_26 : memref<50176xf32, #tpu.memory_space<hbm>>) dst(%arg6 : memref<50176xf32, #tpu.memory_space<vmem>>)
        tpu.yield
      }) : () -> ()
      %scan3A_10 = arith.constant 0 : i32
      %scan3A_11 = arith.constant 0 : i32
      %scan3A_12 = arith.constant 3136 : i32
      %scan3A_13 = arith.addi %scan3A_11, %scan3A_12 : i32
      %scan3A_14 = arith.constant 8 : i32
      scf.for %scan3A_17 = %scan3A_11 to %scan3A_13 step %scan3A_14  : i32 {
        %mul3A_18 = arith.constant 16 : i32
        %mul3A_19 = arith.muli %scan3A_17, %mul3A_18 : i32
        %get3A = arith.index_cast %mul3A_19 : i32 to index
        %get3A_20 = tpu.vector_load %arg6[%get3A] {strides = array<i32>} : memref<50176xf32, #tpu.memory_space<vmem>>, vector<16xf32>,
        %get3A_21 = vector.shape_cast %get3A_20 : vector<16xf32> to vector<16xf32>
        %get3A_22 = arith.index_cast %mul3A_19 : i32 to index
        %get3A_23 = tpu.vector_load %arg5[%get3A_22] {strides = array<i32>} : memref<50176xf32, #tpu.memory_space<vmem>>, vector<16xf32>,
        %get3A_24 = vector.shape_cast %get3A_23 : vector<16xf32> to vector<16xf32>
        %mul3A_25 = arith.mulf %get3A_21, %get3A_24 : vector<16xf32>
        %swap3A = arith.index_cast %mul3A_19 : i32 to index
        %swap3A_26 = tpu.vector_load %arg6[%swap3A] {strides = array<i32>} : memref<50176xf32, #tpu.memory_space<vmem>>, vector<16xf32>,
        %swap3A_27 = vector.shape_cast %swap3A_26 : vector<16xf32> to vector<16xf32>
        %swap3A_28 = vector.shape_cast %mul3A_25 : vector<16xf32> to vector<16xf32>
        tpu.vector_store %arg6[%swap3A], %swap3A_28 {strides = array<i32>} : memref<50176xf32, #tpu.memory_space<vmem>>, vector<16xf32>,
        %scan3A_29 = arith.constant 1 : i32
        %scan3A_30 = arith.addi %scan3A_17, %scan3A_29 : i32
        %mul3A_31 = arith.constant 16 : i32
        %mul3A_32 = arith.muli %scan3A_30, %mul3A_31 : i32
        %get3A_33 = arith.index_cast %mul3A_32 : i32 to index
        %get3A_34 = tpu.vector_load %arg6[%get3A_33] {strides = array<i32>} : memref<50176xf32, #tpu.memory_space<vmem>>, vector<16xf32>,
        %get3A_35 = vector.shape_cast %get3A_34 : vector<16xf32> to vector<16xf32>
        %get3A_36 = arith.index_cast %mul3A_32 : i32 to index
        %get3A_37 = tpu.vector_load %arg5[%get3A_36] {strides = array<i32>} : memref<50176xf32, #tpu.memory_space<vmem>>, vector<16xf32>,
        %get3A_38 = vector.shape_cast %get3A_37 : vector<16xf32> to vector<16xf32>
        %mul3A_39 = arith.mulf %get3A_35, %get3A_38 : vector<16xf32>
        %swap3A_40 = arith.index_cast %mul3A_32 : i32 to index
        %swap3A_41 = tpu.vector_load %arg6[%swap3A_40] {strides = array<i32>} : memref<50176xf32, #tpu.memory_space<vmem>>, vector<16xf32>,
        %swap3A_42 = vector.shape_cast %swap3A_41 : vector<16xf32> to vector<16xf32>
        %swap3A_43 = vector.shape_cast %mul3A_39 : vector<16xf32> to vector<16xf32>
        tpu.vector_store %arg6[%swap3A_40], %swap3A_43 {strides = array<i32>} : memref<50176xf32, #tpu.memory_space<vmem>>, vector<16xf32>,
        %scan3A_44 = arith.constant 2 : i32
        %scan3A_45 = arith.addi %scan3A_17, %scan3A_44 : i32
        %mul3A_46 = arith.constant 16 : i32
        %mul3A_47 = arith.muli %scan3A_45, %mul3A_46 : i32
        %get3A_48 = arith.index_cast %mul3A_47 : i32 to index
        %get3A_49 = tpu.vector_load %arg6[%get3A_48] {strides = array<i32>} : memref<50176xf32, #tpu.memory_space<vmem>>, vector<16xf32>,
        %get3A_50 = vector.shape_cast %get3A_49 : vector<16xf32> to vector<16xf32>
        %get3A_51 = arith.index_cast %mul3A_47 : i32 to index
        %get3A_52 = tpu.vector_load %arg5[%get3A_51] {strides = array<i32>} : memref<50176xf32, #tpu.memory_space<vmem>>, vector<16xf32>,
        %get3A_53 = vector.shape_cast %get3A_52 : vector<16xf32> to vector<16xf32>
        %mul3A_54 = arith.mulf %get3A_50, %get3A_53 : vector<16xf32>
        %swap3A_55 = arith.index_cast %mul3A_47 : i32 to index
        %swap3A_56 = tpu.vector_load %arg6[%swap3A_55] {strides = array<i32>} : memref<50176xf32, #tpu.memory_space<vmem>>, vector<16xf32>,
        %swap3A_57 = vector.shape_cast %swap3A_56 : vector<16xf32> to vector<16xf32>
        %swap3A_58 = vector.shape_cast %mul3A_54 : vector<16xf32> to vector<16xf32>
        tpu.vector_store %arg6[%swap3A_55], %swap3A_58 {strides = array<i32>} : memref<50176xf32, #tpu.memory_space<vmem>>, vector<16xf32>,
        %scan3A_59 = arith.constant 3 : i32
        %scan3A_60 = arith.addi %scan3A_17, %scan3A_59 : i32
        %mul3A_61 = arith.constant 16 : i32
        %mul3A_62 = arith.muli %scan3A_60, %mul3A_61 : i32
        %get3A_63 = arith.index_cast %mul3A_62 : i32 to index
        %get3A_64 = tpu.vector_load %arg6[%get3A_63] {strides = array<i32>} : memref<50176xf32, #tpu.memory_space<vmem>>, vector<16xf32>,
        %get3A_65 = vector.shape_cast %get3A_64 : vector<16xf32> to vector<16xf32>
        %get3A_66 = arith.index_cast %mul3A_62 : i32 to index
        %get3A_67 = tpu.vector_load %arg5[%get3A_66] {strides = array<i32>} : memref<50176xf32, #tpu.memory_space<vmem>>, vector<16xf32>,
        %get3A_68 = vector.shape_cast %get3A_67 : vector<16xf32> to vector<16xf32>
        %mul3A_69 = arith.mulf %get3A_65, %get3A_68 : vector<16xf32>
        %swap3A_70 = arith.index_cast %mul3A_62 : i32 to index
        %swap3A_71 = tpu.vector_load %arg6[%swap3A_70] {strides = array<i32>} : memref<50176xf32, #tpu.memory_space<vmem>>, vector<16xf32>,
        %swap3A_72 = vector.shape_cast %swap3A_71 : vector<16xf32> to vector<16xf32>
        %swap3A_73 = vector.shape_cast %mul3A_69 : vector<16xf32> to vector<16xf32>
        tpu.vector_store %arg6[%swap3A_70], %swap3A_73 {strides = array<i32>} : memref<50176xf32, #tpu.memory_space<vmem>>, vector<16xf32>,
        %scan3A_74 = arith.constant 4 : i32
        %scan3A_75 = arith.addi %scan3A_17, %scan3A_74 : i32
        %mul3A_76 = arith.constant 16 : i32
        %mul3A_77 = arith.muli %scan3A_75, %mul3A_76 : i32
        %get3A_78 = arith.index_cast %mul3A_77 : i32 to index
        %get3A_79 = tpu.vector_load %arg6[%get3A_78] {strides = array<i32>} : memref<50176xf32, #tpu.memory_space<vmem>>, vector<16xf32>,
        %get3A_80 = vector.shape_cast %get3A_79 : vector<16xf32> to vector<16xf32>
        %get3A_81 = arith.index_cast %mul3A_77 : i32 to index
        %get3A_82 = tpu.vector_load %arg5[%get3A_81] {strides = array<i32>} : memref<50176xf32, #tpu.memory_space<vmem>>, vector<16xf32>,
        %get3A_83 = vector.shape_cast %get3A_82 : vector<16xf32> to vector<16xf32>
        %mul3A_84 = arith.mulf %get3A_80, %get3A_83 : vector<16xf32>
        %swap3A_85 = arith.index_cast %mul3A_77 : i32 to index
        %swap3A_86 = tpu.vector_load %arg6[%swap3A_85] {strides = array<i32>} : memref<50176xf32, #tpu.memory_space<vmem>>, vector<16xf32>,
        %swap3A_87 = vector.shape_cast %swap3A_86 : vector<16xf32> to vector<16xf32>
        %swap3A_88 = vector.shape_cast %mul3A_84 : vector<16xf32> to vector<16xf32>
        tpu.vector_store %arg6[%swap3A_85], %swap3A_88 {strides = array<i32>} : memref<50176xf32, #tpu.memory_space<vmem>>, vector<16xf32>,
        %scan3A_89 = arith.constant 5 : i32
        %scan3A_90 = arith.addi %scan3A_17, %scan3A_89 : i32
        %mul3A_91 = arith.constant 16 : i32
        %mul3A_92 = arith.muli %scan3A_90, %mul3A_91 : i32
        %get3A_93 = arith.index_cast %mul3A_92 : i32 to index
        %get3A_94 = tpu.vector_load %arg6[%get3A_93] {strides = array<i32>} : memref<50176xf32, #tpu.memory_space<vmem>>, vector<16xf32>,
        %get3A_95 = vector.shape_cast %get3A_94 : vector<16xf32> to vector<16xf32>
        %get3A_96 = arith.index_cast %mul3A_92 : i32 to index
        %get3A_97 = tpu.vector_load %arg5[%get3A_96] {strides = array<i32>} : memref<50176xf32, #tpu.memory_space<vmem>>, vector<16xf32>,
        %get3A_98 = vector.shape_cast %get3A_97 : vector<16xf32> to vector<16xf32>
        %mul3A_99 = arith.mulf %get3A_95, %get3A_98 : vector<16xf32>
        %swap3A_100 = arith.index_cast %mul3A_92 : i32 to index
        %swap3A_101 = tpu.vector_load %arg6[%swap3A_100] {strides = array<i32>} : memref<50176xf32, #tpu.memory_space<vmem>>, vector<16xf32>,
        %swap3A_102 = vector.shape_cast %swap3A_101 : vector<16xf32> to vector<16xf32>
        %swap3A_103 = vector.shape_cast %mul3A_99 : vector<16xf32> to vector<16xf32>
        tpu.vector_store %arg6[%swap3A_100], %swap3A_103 {strides = array<i32>} : memref<50176xf32, #tpu.memory_space<vmem>>, vector<16xf32>,
        %scan3A_104 = arith.constant 6 : i32
        %scan3A_105 = arith.addi %scan3A_17, %scan3A_104 : i32
        %mul3A_106 = arith.constant 16 : i32
        %mul3A_107 = arith.muli %scan3A_105, %mul3A_106 : i32
        %get3A_108 = arith.index_cast %mul3A_107 : i32 to index
        %get3A_109 = tpu.vector_load %arg6[%get3A_108] {strides = array<i32>} : memref<50176xf32, #tpu.memory_space<vmem>>, vector<16xf32>,
        %get3A_110 = vector.shape_cast %get3A_109 : vector<16xf32> to vector<16xf32>
        %get3A_111 = arith.index_cast %mul3A_107 : i32 to index
        %get3A_112 = tpu.vector_load %arg5[%get3A_111] {strides = array<i32>} : memref<50176xf32, #tpu.memory_space<vmem>>, vector<16xf32>,
        %get3A_113 = vector.shape_cast %get3A_112 : vector<16xf32> to vector<16xf32>
        %mul3A_114 = arith.mulf %get3A_110, %get3A_113 : vector<16xf32>
        %swap3A_115 = arith.index_cast %mul3A_107 : i32 to index
        %swap3A_116 = tpu.vector_load %arg6[%swap3A_115] {strides = array<i32>} : memref<50176xf32, #tpu.memory_space<vmem>>, vector<16xf32>,
        %swap3A_117 = vector.shape_cast %swap3A_116 : vector<16xf32> to vector<16xf32>
        %swap3A_118 = vector.shape_cast %mul3A_114 : vector<16xf32> to vector<16xf32>
        tpu.vector_store %arg6[%swap3A_115], %swap3A_118 {strides = array<i32>} : memref<50176xf32, #tpu.memory_space<vmem>>, vector<16xf32>,
        %scan3A_119 = arith.constant 7 : i32
        %scan3A_120 = arith.addi %scan3A_17, %scan3A_119 : i32
        %mul3A_121 = arith.constant 16 : i32
        %mul3A_122 = arith.muli %scan3A_120, %mul3A_121 : i32
        %get3A_123 = arith.index_cast %mul3A_122 : i32 to index
        %get3A_124 = tpu.vector_load %arg6[%get3A_123] {strides = array<i32>} : memref<50176xf32, #tpu.memory_space<vmem>>, vector<16xf32>,
        %get3A_125 = vector.shape_cast %get3A_124 : vector<16xf32> to vector<16xf32>
        %get3A_126 = arith.index_cast %mul3A_122 : i32 to index
        %get3A_127 = tpu.vector_load %arg5[%get3A_126] {strides = array<i32>} : memref<50176xf32, #tpu.memory_space<vmem>>, vector<16xf32>,
        %get3A_128 = vector.shape_cast %get3A_127 : vector<16xf32> to vector<16xf32>
        %mul3A_129 = arith.mulf %get3A_125, %get3A_128 : vector<16xf32>
        %swap3A_130 = arith.index_cast %mul3A_122 : i32 to index
        %swap3A_131 = tpu.vector_load %arg6[%swap3A_130] {strides = array<i32>} : memref<50176xf32, #tpu.memory_space<vmem>>, vector<16xf32>,
        %swap3A_132 = vector.shape_cast %swap3A_131 : vector<16xf32> to vector<16xf32>
        %swap3A_133 = vector.shape_cast %mul3A_129 : vector<16xf32> to vector<16xf32>
        tpu.vector_store %arg6[%swap3A_130], %swap3A_133 {strides = array<i32>} : memref<50176xf32, #tpu.memory_space<vmem>>, vector<16xf32>,
      }
      %scan3A_15 = arith.constant 3136 : i32
      %add3A_16 = arith.addi %mul3A_2, %scan3A_8 : i32
      "tpu.region"() ({
        %run_scoped3A = tpu.sem_alloc : memref<!tpu.dma_semaphore, #tpu.memory_space<semaphore_mem>>
        %dma_start3A = arith.constant 0 : i32
        %dma_start3A_17 = tpu.memref_slice %arg4[%add3A_16, %dma_start3A] : memref<1024x50176xf32, #tpu.memory_space<hbm>> -> memref<1x50176xf32, #tpu.memory_space<hbm>>
        %dma_start3A_18 = tpu.memref_squeeze %dma_start3A_17 : memref<1x50176xf32, #tpu.memory_space<hbm>> -> memref<50176xf32, #tpu.memory_space<hbm>>
        %dma_start3A_19 = arith.constant 0 : i32
        %dma_start3A_20 = tpu.memref_slice %arg4[%add3A_16, %dma_start3A_19] : memref<1024x50176xf32, #tpu.memory_space<hbm>> -> memref<1x50176xf32, #tpu.memory_space<hbm>>
        %dma_start3A_21 = tpu.memref_squeeze %dma_start3A_20 : memref<1x50176xf32, #tpu.memory_space<hbm>> -> memref<50176xf32, #tpu.memory_space<hbm>>
        tpu.enqueue_dma source(%arg6 : memref<50176xf32, #tpu.memory_space<vmem>>) target(%dma_start3A_21 : memref<50176xf32, #tpu.memory_space<hbm>>) target_semaphore(%run_scoped3A : memref<!tpu.dma_semaphore, #tpu.memory_space<semaphore_mem>>)
        %dma_wait3A = arith.constant 0 : i32
        %dma_wait3A_22 = tpu.memref_slice %arg4[%add3A_16, %dma_wait3A] : memref<1024x50176xf32, #tpu.memory_space<hbm>> -> memref<1x50176xf32, #tpu.memory_space<hbm>>
        %dma_wait3A_23 = tpu.memref_squeeze %dma_wait3A_22 : memref<1x50176xf32, #tpu.memory_space<hbm>> -> memref<50176xf32, #tpu.memory_space<hbm>>
        %dma_wait3A_24 = arith.constant 0 : i32
        %dma_wait3A_25 = tpu.memref_slice %arg4[%add3A_16, %dma_wait3A_24] : memref<1024x50176xf32, #tpu.memory_space<hbm>> -> memref<1x50176xf32, #tpu.memory_space<hbm>>
        %dma_wait3A_26 = tpu.memref_squeeze %dma_wait3A_25 : memref<1x50176xf32, #tpu.memory_space<hbm>> -> memref<50176xf32, #tpu.memory_space<hbm>>
        tpu.wait_dma2 semaphore(%run_scoped3A : memref<!tpu.dma_semaphore, #tpu.memory_space<semaphore_mem>>) src(%arg6 : memref<50176xf32, #tpu.memory_space<vmem>>) dst(%dma_wait3A_26 : memref<50176xf32, #tpu.memory_space<hbm>>)
        tpu.yield
      }) : () -> ()
    }
    %scan3A_7 = arith.constant 32 : i32
    return
  }
}

</mosaic_0001>

<sc_bundles>
// kernel: kernel.3.cloned.1.call-start
scs
__scs_entry_jumppad:
0x0: {  	(pc) =	sbr.rel $0x88, $3  }
0x1: {  	(tag) =	ssettag $0x0;
	lr =	simm.s32 $0x1  }
0x2: {  	[smem:$0x3F9F] =	sst lr;
	_ =	strace $0xD0000000  }
0x3: {  	_ = 	snop  }
0x4: {  	_ = 	snop  }
0x5: {  	_ = 	snop  }
0x6: {  	_ = 	snop  }
0x7: {  	_ = 	snop  }
__scs_overlays_trampoline_lowered:
0x8: {  	[smem:$0x3FAE] =	sst s0  }
0x9: {  	[smem:$0x3FAF] =	sst s1  }
0xa: {  	[smem:$0x3FB0] =	sst s2  }
0xb: {  	[smem:$0x3FB1] =	sst s3  }
0xc: {  	[smem:$0x3FB2] =	sst s4  }
0xd: {  	[smem:$0x3FB3] =	sst s5  }
0xe: {  	[smem:$0x3FB4] =	sst s6  }
0xf: {  	[smem:$0x3FB5] =	sst s7  }
0x10: {  	[smem:$0x3FB6] =	sst s8  }
0x11: {  	[smem:$0x3FB7] =	sst s9;
	s0 =	simm.s32 @!p0 $0x0  }
0x12: {  	s1 =	sld [smem:$0x3F9D];
	s0 =	simm.s32 @p0 $0x1  }
0x13: {  	[smem:$0x3FB8] =	sst s0;
	s0 =	simm.s32 @!p1 $0x0  }
0x14: {  	s2 =	sld [smem:$0x3F9C];
	s0 =	simm.s32 @p1 $0x1  }
0x15: {  	[smem:$0x3FB9] =	sst s0;
	s0 =	simm.s32 @!p2 $0x0  }
0x16: {  	s3 =	sld [smem:$0x3FDB];
	s0 =	simm.s32 @p2 $0x1  }
0x17: {  	s4 =	simm.s32 $0x1BF5;
	[smem:$0x3FBB] =	sst s0  }
0x18: {  	s0 =	sld [smem:$0x3F9E];
	_ =	swait.ge [sflag:s4], $0x0  }
0x19: {  	s7 =	sld [smem:$0x3F9F]  }
0x1a: {  	s8 =	sadd.s32 $0xFFFFE003, lr  }
0x1b: {  	s9 =	sadd.s32 $0xFFFFFEF7, lr;
	s5 =	simm.s32 $0xFFFFFFFF;
	p2 =	slt.u32 s8, $0xFFFFF086  }
0x1c: {  	p1 =	slt.u32 s9, $0xF7A;
	s5 =	simm.s32 @!p2 $0x0  }
0x1d: {  	s5 =	simm.s32 @p1 $0x1;
	p0 =	seq.s32 s7, s2  }
0x1e: {  	s7 =	smul.u32 @!p0 $0xF7A, s2;
	p2 =	seq.s32 @!p0 s5, $0x0  }
0x1f: {  	s9 =	smul.u32 $0xF7A, s1;
	s8 =	simm.s32 @!p0 $0x1BF5;
	p2 =	por !p2, p0  }
0x20: {  	[sflag:s8] =	ssyncset.s32 @!p0 $0xFFFFF086;
	s6 =	sadd.s32 @!p0 s3, s7;
	s7 =	simm.s32 @!p0 $0x108  }
0x21: {  	s3 =	sadd.s32 s3, s9;
	s6 =	sadd.s32 @!p0 $0x88, s6;
	s7 =	simm.s32 @p2 $0x1082  }
0x22: {  	[simem:s7], [sflag:s8] =	dma.local @!p0 [hbm:s6], $0xF7A  }
0x23: {  	s9 =	sor.u32 $0xD0000000, s2;
	s6 =	simm.s32 $0x108;
	_ =	swait.ge @!p0 [sflag:s8], $0x0  }
0x24: {  	s3 =	sadd.s32 $0x88, s3;
	s6 =	simm.s32 @!p1 $0x1082;
	[sflag:s4] =	ssyncset.s32 $0xFFFFF086  }
0x25: {  	[simem:s6], [sflag:s4] =	dma.local [hbm:s3], $0xF7A  }
0x26: {  	[smem:$0x3F9F] =	sst s1;
	(tag) =	ssettag s2;
	_ =	strace s9  }
0x27: {  	s1 =	sld [smem:$0x3FAF]  }
0x28: {  	s2 =	sld [smem:$0x3FB0]  }
0x29: {  	s4 =	sld [smem:$0x3FB2]  }
0x2a: {  	p0 =	seq.s32 s5, $0x0;
	s5 =	sld [smem:$0x3FB3]  }
0x2b: {  	s6 =	sld [smem:$0x3FB4]  }
0x2c: {  	s7 =	sld [smem:$0x3FB5]  }
0x2d: {  	s3 =	simm.s32 $0x108;
	s8 =	sld [smem:$0x3FB6]  }
0x2e: {  	s3 =	simm.s32 @!p0 $0x1082;
	s9 =	sld [smem:$0x3FB7]  }
0x2f: {  	lr =	sadd.s32 s0, s3;
	s0 =	sld [smem:$0x3FAE]  }
0x30: {  	s3 =	sld [smem:$0x3FB1]  }
0x31: {  	[smem:$0x3FBA] =	sst s10  }
0x32: {  	s10 =	sld [smem:$0x3FB8];
	_ =	sdelay $0x3  }
0x33: {  	p0 =	seq.s32 s10, $0x1;
	s10 =	sld [smem:$0x3FBA];
	_ =	sdelay $0x3  }
0x34: {  	[smem:$0x3FBA] =	sst s10  }
0x35: {  	s10 =	sld [smem:$0x3FB9];
	_ =	sdelay $0x3  }
0x36: {  	p1 =	seq.s32 s10, $0x1;
	s10 =	sld [smem:$0x3FBA];
	_ =	sdelay $0x3  }
0x37: {  	[smem:$0x3FBA] =	sst s10  }
0x38: {  	s10 =	sld [smem:$0x3FBB]  }
0x39: {  	_ = 	snop;
	(pc) =	sbr.ind lr, $3  }
0x3a: {  	_ = 	snop  }
0x3b: {  	_ = 	snop  }
0x3c: {  	p2 =	seq.s32 s10, $0x1;
	s10 =	sld [smem:$0x3FBA]  }
0x3d: {  	_ =	shalt  }
0x3e: {  	_ =	shalt  }
0x3f: {  	_ =	shalt  }
0x40: {  	_ =	shalt  }
0x41: {  	_ =	shalt  }
0x42: {  	_ =	shalt  }
0x43: {  	_ =	shalt  }
0x44: {  	_ =	shalt  }
0x45: {  	_ =	shalt  }
0x46: {  	_ =	shalt  }
0x47: {  	_ =	shalt  }
0x48: {  	_ =	shalt  }
0x49: {  	_ =	shalt  }
0x4a: {  	_ =	shalt  }
0x4b: {  	_ =	shalt  }
0x4c: {  	_ =	shalt  }
0x4d: {  	_ =	shalt  }
0x4e: {  	_ =	shalt  }
0x4f: {  	_ =	shalt  }
0x50: {  	_ =	shalt  }
0x51: {  	_ =	shalt  }
0x52: {  	_ =	shalt  }
0x53: {  	_ =	shalt  }
0x54: {  	_ =	shalt  }
0x55: {  	_ =	shalt  }
0x56: {  	_ =	shalt  }
0x57: {  	_ =	shalt  }
0x58: {  	_ =	shalt  }
0x59: {  	_ =	shalt  }
0x5a: {  	_ =	shalt  }
0x5b: {  	_ =	shalt  }
0x5c: {  	_ =	shalt  }
0x5d: {  	_ =	shalt  }
0x5e: {  	_ =	shalt  }
0x5f: {  	_ =	shalt  }
0x60: {  	_ =	shalt  }
0x61: {  	_ =	shalt  }
0x62: {  	_ =	shalt  }
0x63: {  	_ =	shalt  }
0x64: {  	_ =	shalt  }
0x65: {  	_ =	shalt  }
0x66: {  	_ =	shalt  }
0x67: {  	_ =	shalt  }
0x68: {  	_ =	shalt  }
0x69: {  	_ =	shalt  }
0x6a: {  	_ =	shalt  }
0x6b: {  	_ =	shalt  }
0x6c: {  	_ =	shalt  }
0x6d: {  	_ =	shalt  }
0x6e: {  	_ =	shalt  }
0x6f: {  	_ =	shalt  }
0x70: {  	_ =	shalt  }
0x71: {  	_ =	shalt  }
0x72: {  	_ =	shalt  }
0x73: {  	_ =	shalt  }
0x74: {  	_ =	shalt  }
0x75: {  	_ =	shalt  }
0x76: {  	_ =	shalt  }
0x77: {  	_ =	shalt  }
0x78: {  	_ =	shalt  }
0x79: {  	_ =	shalt  }
0x7a: {  	_ =	shalt  }
0x7b: {  	_ =	shalt  }
0x7c: {  	_ =	shalt  }
0x7d: {  	_ =	shalt  }
0x7e: {  	_ =	shalt  }
0x7f: {  	_ =	shalt  }
0x80: {  	_ =	shalt  }
0x81: {  	_ =	shalt  }
0x82: {  	_ =	shalt  }
0x83: {  	_ =	shalt  }
0x84: {  	_ =	shalt  }
0x85: {  	_ =	shalt  }
0x86: {  	_ =	shalt  }
0x87: {  	_ =	shalt  }
.Lfunc_end0:
.L_simem_size_0:
called_computation_lowered:
.L_overlay_start_0:
0x88: {  	s2 =	sld [smem:$0x3FD9]  }
0x89: {  	s3 =	sld [smem:$0x3FFE];
	_ =	sdelay $0x1  }
0x8a: {  	s1 =	srdreg.scid  }
0x8b: {  	s0 =	sand.u32 $0x1, s1  }
0x8c: {  	s17 =	sshll.u32 s0, $0xA;
	s2 =	sadd.s32 s3, s2  }
0x8d: {  	s2 =	sadd.s32 s2, s17  }
0x8e: {  	[smem:$0x3FC6] =	sst s2  }
0x8f: {  	_ = 	snop  }
0x90: {  	s2 =	sld [smem:$0x3FD0];
	(tm) =	ssettm $0x1  }
0x91: {  	s18 =	sld [smem:$0x3FFB];
	_ =	sdelay $0x3  }
0x92: {  	_ =	strace s18  }
0x93: {  	s3 =	sld [smem:$0x3FFC];
	_ =	sdelay $0x3  }
0x94: {  	_ =	strace s3  }
0x95: {  	s3 =	sld [smem:$0x3FFD];
	_ =	sdelay $0x3  }
0x96: {  	_ =	strace s3  }
0x97: {  	_ =	strace $0x8FFFFFFF  }
0x98: {  	s19 =	sld [smem:$0x3FDB];
	_ =	sdelay $0x1  }
0x99: {  	s4 =	simm.s32 $_scs_section_size  }
0x9a: {  	s5 =	simm.s32 $_size__tile_overlayer_lowered;
	s6 =	simm.s32 $_tile_overlayer_lowered  }
0x9b: {  	s22 =	simm.s32 $0x1BFF;
	s21 =	sshll.u32 s6, $0x1;
	s3 =	sadd.s32 s4, s19  }
0x9c: {  	s7 =	simm.s32 $0x0;
	s20 =	sshll.u32 s5, $0x1;
	s5 =	sadd.s32 s21, s3  }
0x9d: {  	[timem:s7], [sflag:s22] =	dma.local [hbm:s5], s20  }
0x9e: {  	_ =	swait.ge [sflag:s22], s20  }
0x9f: {  	s4 =	ssub.s32 $0x0, s20;
	[sflag:s22] =	ssyncset.done $0x0  }
0xa0: {  	[sflag:s22] =	ssyncadd.s32 s4;
	_ =	sdelay $0x1  }
0xa1: {  	s23 =	simm.s32 $0x1B8B  }
0xa2: {  	_ =	swait.ge [sflag:s23], $0x1  }
0xa3: {  	[sflag:s23] =	ssyncset.done $0x0  }
0xa4: {  	s25 =	simm.s32 $0x1B8E;
	s24 =	sld [smem:$0x3FFE];
	[sflag:s23] =	ssyncadd.s32 $0xFFFFFFFF  }
0xa5: {  	s26 =	simm.s32 $execute0_lowered;
	[smem:$0x3FD2] =	sst s25  }
0xa6: {  	s5 =	sshll.u32 s26, $0x1;
	_ =	strace $0x80000046;
	[dreg:$0x1] =	wrdreg $0xFFFFFFFF  }
0xa7: {  	s28 =	simm.s32 $_size_execute0_lowered;
	s3 =	sadd.s32 s3, s5;
	[dreg:$0x0] =	wrdreg $0x0  }
0xa8: {  	s5 =	sshll.u32 s28, $0x1;
	[dreg:$0x2] =	wrdreg s3  }
0xa9: {  	[dreg:$0x3] =	wrdreg s5  }
0xaa: {  	[dreg:$0x4] =	wrdreg $0xC0  }
0xab: {  	_ =	task [dreg:s7], $0x5FFFF  }
0xac: {  	[dreg:$0x1] =	wrdreg $0xFFFFFFFF  }
0xad: {  	[dreg:$0x0] =	wrdreg $0x60  }
0xae: {  	[dreg:$0x2] =	wrdreg s2  }
0xaf: {  	[dreg:$0x3] =	wrdreg s24  }
0xb0: {  	[dreg:$0x4] =	wrdreg $0x9  }
0xb1: {  	_ =	task.clear_ibuf [dreg:s7], $0x5FFFF;
	_ =	strace $0x90000046  }
0xb2: {  	s29 =	simm.s32 $0x9;
	_ =	strace $0x80000048  }
0xb3: {  	_ =	swait.ge [sflag:s29], $0x1  }
0xb4: {  	[sflag:s29] =	ssyncadd.s32 $0xFFFFFFFF  }
0xb5: {  	_ =	strace $0x90000048  }
0xb6: {  	_ =	sfence  }
0xb7: {  	s30 =	sld [smem:$0x0];
	_ =	sdelay $0x2  }
0xb8: {  	s31 =	sshll.u32 s1, $0xD;
	s1 =	sshrl.u32 s1, $0x2  }
0xb9: {  	s3 =	sand.u32 $0x4000, s31;
	s1 =	sadd.s32 s1, s30  }
0xba: {  	s0 =	sor.u32 s3, s0;
	s1 =	sshll.u32 s1, $0x11  }
0xbb: {  	s0 =	sor.u32 s1, s0  }
0xbc: {  	s0 =	sadd.s32 $0x8F2B, s0  }
0xbd: {  	[sflag:s0] =	ssyncadd.remote.s32 $0x1  }
0xbe: {  	_ =	sfence.sel $0xFFFF  }
0xbf: {  	[dreg:$0x0] =	wrdreg $0xFFFFFFFF;
	(pc) =	sbr.abs _section_cstart, $3  }
0xc0: {  	[dreg:$0x1] =	wrdreg $0xFFFFFFFF  }
0xc1: {  	_ =	task.clear_ibuf [dreg:s7], $0x2FFFF;
	_ =	strace $0x9FFFFFFF  }
0xc2: {  	(tm) =	ssettm $0x7FFFFFFF  }
0xc3: {  	_ =	shalt  }
tec
execute0_lowered:
.L_overlay_start_1:
0x0: {  	(tag) =	ssettag $0x1  }
0x1: {  	s1 =	srdreg.scid  }
0x2: {  	s0 =	stileid.u32;
	s2 =	rddreg [dreg:$0x0]  }
0x3: {  	s6 =	rddreg [dreg:$0x1];
	s3 =	simm.s32 $0x0;
	s9 =	simm.s32 $0x400  }
0x4: {  	s10 =	simm.s32 $0x1;
	s4 =	sand.u32 $0x1, s1;
	s28 =	sshll.u32 s0, $0x1  }
0x5: {  	s11 =	simm.s32 $0xC400;
	s29 =	sshrl.u32 s0, $0x2;
	s5 =	sor.u32 s4, s28  }
0x6: {  	s1 =	rddreg [dreg:$0x2];
	s7 =	smul.u32 $0x62000, s29;
	s8 =	sshll.u32 s5, $0x7  }
0x7: {  	s12 =	simm.s32 $0x0;
	[smem:$0x7FF] =	sst s3;
	s8 =	sand.u32 $0x380, s8  }
0x8: {  	_ =	strace $0x80000047;
	s30 =	ssub.s32 $0x2, s4;
	s7 =	sor.u32 s7, s8  }
0x9: {  	s4 =	sadd.s32 $0x31400, s6;
	s31 =	sshrl.u32 s30, $0x1;
	s7 =	sshrl.u32 s7, $0x3  }
0xa: {  	s5 =	sshll.u32 s5, $0x5;
	s8 =	ssub.s32 s30, s31;
	s7 =	sadd.s32 s7, s6  }
0xb: {  	s6 =	sadd.s32 $0x400, s7;
	s7 =	smax.u32 s8, $0x1;
	s8 =	simm.s32 $0x80  }
.LBB2_1:
0xc: {  	[tilespmem:s3], [sflag:$0x1] =	stream.strided.gather [hbm4b:s6+s8], $0xC400, s9, s8, $0x38;
	[tilespmem:$0x18800] =	vst v63  }
0xd: {  	_ =	swait.ge [sflag:s10], $0xC400  }
0xe: {  	[sflag:s10] =	ssyncset.done $0x0  }
0xf: {  	s13 =	simm.s32 $0x0;
	[sflag:s10] =	ssyncadd.s32 $0xFFFF3C00  }
.LBB2_2:
0x10: {  	s14 =	sadd.s32 s5, s13  }
0x11: {  	s14 =	sshrl.u32 s14, $0x3  }
0x12: {  	s15 =	sshll.u32 s13, $0x7;
	s14 =	smul.u32 $0x62000, s14  }
0x13: {  	s15 =	sand.u32 $0x380, s15  }
0x14: {  	s14 =	sor.u32 s15, s14  }
0x15: {  	s14 =	sshrl.u32 s14, $0x3  }
0x16: {  	s31 =	sadd.s32 s2, s14  }
0x17: {  	[tilespmem:s11], [sflag:$0x1] =	stream.strided.gather [hbm4b:s31+s8], $0xC400, s9, s8, $0x38;
	[tilespmem:$0x18800] =	vst v63  }
0x18: {  	_ =	swait.ge [sflag:s10], $0xC400  }
0x19: {  	[sflag:s10] =	ssyncset.done $0x0  }
0x1a: {  	s15 =	simm.s32 $0xC440;
	[sflag:s10] =	ssyncadd.s32 $0xFFFF3C00  }
0x1b: {  	s16 =	simm.s32 $0x40;
	v0 =	vld [tilespmem:s15+$0xFFFFFFC0]  }
0x1c: {  	v1 =	vld [tilespmem:s16+$0xFFFFFFC0];
	_ =	sdelay $0x4  }
0x1d: {  	v0 =	vmul.f32 v1, v0;
	_ =	sdelay $0x1  }
0x1e: {  	[tilespmem:s15+$0xFFFFFFC0] =	vst v0;
	v0 =	vld [tilespmem:s15+$0xFFFFFFD0]  }
0x1f: {  	v1 =	vld [tilespmem:s16+$0xFFFFFFD0];
	_ =	sdelay $0x4  }
0x20: {  	v0 =	vmul.f32 v1, v0;
	_ =	sdelay $0x1  }
0x21: {  	[tilespmem:s15+$0xFFFFFFD0] =	vst v0;
	v0 =	vld [tilespmem:s15+$0xFFFFFFE0]  }
0x22: {  	v1 =	vld [tilespmem:s16+$0xFFFFFFE0];
	_ =	sdelay $0x4  }
0x23: {  	v0 =	vmul.f32 v1, v0;
	_ =	sdelay $0x1  }
0x24: {  	[tilespmem:s15+$0xFFFFFFE0] =	vst v0;
	v0 =	vld [tilespmem:s15+$0xFFFFFFF0]  }
0x25: {  	v1 =	vld [tilespmem:s16+$0xFFFFFFF0];
	_ =	sdelay $0x4  }
0x26: {  	v0 =	vmul.f32 v1, v0;
	_ =	sdelay $0x1  }
0x27: {  	[tilespmem:s15+$0xFFFFFFF0] =	vst v0;
	v0 =	vld [tilespmem:s15+$0x0]  }
0x28: {  	v1 =	vld [tilespmem:s16+$0x0];
	_ =	sdelay $0x4  }
0x29: {  	v0 =	vmul.f32 v1, v0;
	_ =	sdelay $0x1  }
0x2a: {  	[tilespmem:s15+$0x0] =	vst v0;
	v0 =	vld [tilespmem:s15+$0x10]  }
0x2b: {  	v1 =	vld [tilespmem:s16+$0x10];
	_ =	sdelay $0x4  }
0x2c: {  	v0 =	vmul.f32 v1, v0;
	_ =	sdelay $0x1  }
0x2d: {  	[tilespmem:s15+$0x10] =	vst v0;
	v0 =	vld [tilespmem:s15+$0x20]  }
0x2e: {  	v1 =	vld [tilespmem:s16+$0x20];
	_ =	sdelay $0x4  }
0x2f: {  	v0 =	vmul.f32 v1, v0;
	_ =	sdelay $0x1  }
0x30: {  	[tilespmem:s15+$0x20] =	vst v0;
	v0 =	vld [tilespmem:s15+$0x30]  }
0x31: {  	v1 =	vld [tilespmem:s16+$0x30];
	_ =	sdelay $0x4  }
0x32: {  	v0 =	vmul.f32 v1, v0  }
0x33: {  	s17 =	simm.s32 $0x0;
	s18 =	simm.s32 $0xC4C0  }
.LBB2_3:
0x34: {  	v1 =	vld [tilespmem:s18+$0xFFFFFFC0];
	[tilespmem:s15+$0x30] =	vst v0;
	s16 =	sadd.s32 $0x80, s16;
	s15 =	smov.u32 s18  }
0x35: {  	s17 =	sadd.s32 $0x8, s17;
	v0 =	vld [tilespmem:s16+$0xFFFFFFC0]  }
0x36: {  	p0 =	slt.u32 s17, $0xC38;
	_ =	sdelay $0x3  }
0x37: {  	v0 =	vmul.f32 v0, v1;
	_ =	sdelay $0x1  }
0x38: {  	[tilespmem:s18+$0xFFFFFFC0] =	vst v0;
	v0 =	vld [tilespmem:s18+$0xFFFFFFD0]  }
0x39: {  	v1 =	vld [tilespmem:s16+$0xFFFFFFD0];
	_ =	sdelay $0x4  }
0x3a: {  	v0 =	vmul.f32 v1, v0;
	_ =	sdelay $0x1  }
0x3b: {  	[tilespmem:s18+$0xFFFFFFD0] =	vst v0;
	v0 =	vld [tilespmem:s18+$0xFFFFFFE0]  }
0x3c: {  	v1 =	vld [tilespmem:s16+$0xFFFFFFE0];
	_ =	sdelay $0x4  }
0x3d: {  	v0 =	vmul.f32 v1, v0;
	_ =	sdelay $0x1  }
0x3e: {  	[tilespmem:s18+$0xFFFFFFE0] =	vst v0;
	v0 =	vld [tilespmem:s18+$0xFFFFFFF0]  }
0x3f: {  	v1 =	vld [tilespmem:s16+$0xFFFFFFF0];
	_ =	sdelay $0x4  }
0x40: {  	v0 =	vmul.f32 v1, v0;
	_ =	sdelay $0x1  }
0x41: {  	[tilespmem:s18+$0xFFFFFFF0] =	vst v0;
	v0 =	vld [tilespmem:s18+$0x0]  }
0x42: {  	v1 =	vld [tilespmem:s16+$0x0];
	_ =	sdelay $0x4  }
0x43: {  	v0 =	vmul.f32 v1, v0;
	_ =	sdelay $0x1  }
0x44: {  	[tilespmem:s18+$0x0] =	vst v0;
	v0 =	vld [tilespmem:s18+$0x10]  }
0x45: {  	v1 =	vld [tilespmem:s16+$0x10];
	_ =	sdelay $0x4  }
0x46: {  	v0 =	vmul.f32 v1, v0;
	_ =	sdelay $0x1  }
0x47: {  	[tilespmem:s18+$0x10] =	vst v0;
	v0 =	vld [tilespmem:s18+$0x20]  }
0x48: {  	v1 =	vld [tilespmem:s16+$0x20];
	_ =	sdelay $0x4  }
0x49: {  	v0 =	vmul.f32 v1, v0;
	_ =	sdelay $0x1  }
0x4a: {  	[tilespmem:s18+$0x20] =	vst v0;
	v0 =	vld [tilespmem:s18+$0x30]  }
0x4b: {  	v1 =	vld [tilespmem:s16+$0x30];
	_ =	sdelay $0x1  }
.Ltmp0:
0x4c: {  	(pc) =	sbr.rel @p0 .LBB2_3-.Ltmp0, $3  }
0x4d: {  	_ =	sdelay $0x1  }
0x4e: {  	v0 =	vmul.f32 v1, v0  }
0x4f: {  	s18 =	sadd.s32 $0x80, s18  }
0x50: {  	s13 =	sadd.s32 $0x1, s13  }
0x51: {  	p0 =	sne.s32 s13, $0x20  }
.Ltmp1:
0x52: {  	[tilespmem:s15+$0x30] =	vst v0;
	s14 =	sadd.s32 s4, s14;
	(pc) =	sbr.rel @p0 .LBB2_2-.Ltmp1, $4  }
0x53: {  	[hbm4b:s14+s8] =	stream.strided.scatter [tilespmem:s11], [sflag:$0x1], $0xC400, s9, s8, $0x38;
	[tilespmem:$0x18800] =	vst v63  }
0x54: {  	_ =	swait.ge [sflag:s10], $0xC400  }
0x55: {  	[sflag:s10] =	ssyncset.done $0x0  }
0x56: {  	[sflag:s10] =	ssyncadd.s32 $0xFFFF3C00  }
0x57: {  	s12 =	sadd.s32 $0x1, s12  }
0x58: {  	p0 =	sne.s32 s12, s7  }
.Ltmp2:
0x59: {  	_ = 	snop;
	(pc) =	sbr.rel @p0 .LBB2_1-.Ltmp2, $1  }
0x5a: {  	_ =	sdelay $0x3  }
0x5b: {  	_ =	sfence.sel $0x180000  }
0x5c: {  	[bflag:$0x0] =	sbarrier.arrive $0xFFFF  }
0x5d: {  	p0 =	sne.s32 s0, $0x0;
	_ =	strace $0x90000047  }
0x5e: {  	s0 =	sadd.s32 @!p0 $0x100000, s1;
	[bflag:$0x2] =	sbarrier.arrive $0xFFFF  }
0x5f: {  	[sflag:s0] =	ssyncadd.tile.s32 @!p0 $0x1;
	_ =	shalt  }
.Lfunc_end2:
_tile_overlayer_lowered:
.L_overlay_start_2:
0x60: {  	(tag) =	ssettag $0x2  }
0x61: {  	s0 =	rddreg [dreg:$0x0];
	s2 =	stileid.u32  }
0x62: {  	s1 =	rddreg [dreg:$0x1];
	p0 =	sne.s32 s2, $0x0  }
0x63: {  	s3 =	rddreg [dreg:$0x2];
	[bflag:$0x3] =	sbarrier.arrive $0xFFFF;
	s2 =	simm.s32 @!p0 $0x1C01  }
0x64: {  	[timem:s3], [sflag:s2] =	dma.local @!p0 [hbm:s0], s1  }
0x65: {  	s0 =	simm.s32 @!p0 $0x1  }
0x66: {  	_ =	swait.ge @!p0 [sflag:s0], s1  }
0x67: {  	s1 =	ssub.s32 @!p0 $0x0, s1;
	[sflag:s0] =	ssyncset.done @!p0 $0x0  }
0x68: {  	[sflag:s0] =	ssyncadd.s32 @!p0 s1  }
0x69: {  	[bflag:$0x3] =	sbarrier.arrive $0xFFFF  }
0x6a: {  	_ =	shalt  }

</sc_bundles>
